<compile_context>
chip_gen: v7x
topology: tpu7x:2x2x1
jax: 0.10.2.dev20260603
libtpu: 0.0.44.dev20260713+nightly
codegen_flags: <defaults>
</compile_context>

<pallas_src>
import functools

import jax
import jax.numpy as jnp
from jax import lax
from jax.experimental import pallas as pl
from jax.experimental.pallas import tpu as pltpu
from jax.experimental.pallas import tpu_sc as plsc

NUM_CORES = 2
NUM_SUBCORES = 16
NW = NUM_CORES * NUM_SUBCORES
D = 128
CH = 128


def _make_gather(bsz, seq, V):
    bat_per_w = bsz // NW
    n_c = bat_per_w // CH
    mesh = plsc.VectorSubcoreMesh(core_axis_name="c", subcore_axis_name="s")

    @functools.partial(
        pl.kernel,
        out_type=jax.ShapeDtypeStruct((seq, bsz, D), jnp.float32),
        mesh=mesh,
        scratch_types=[
            pltpu.VMEM((seq, bat_per_w), jnp.int32),
            pltpu.VMEM((n_c, CH, D), jnp.float32),
            pltpu.VMEM_SHARED((V, D), jnp.float32),
            pltpu.SemaphoreType.DMA,
            [pltpu.SemaphoreType.DMA] * n_c,
        ],
    )
    def gather_kernel(idx_hbm, table_hbm, out_hbm, idx_v, rows_v, table_sp,
                      gsem, ssems):
        wid = lax.axis_index("s") * NUM_CORES + lax.axis_index("c")
        b0 = wid * bat_per_w

        @pl.when(lax.axis_index("s") == 0)
        def _stage_table():
            pltpu.sync_copy(table_hbm, table_sp)

        pltpu.sync_copy(idx_hbm.at[:, pl.ds(b0, bat_per_w)], idx_v)
        plsc.subcore_barrier()

        def per_seq(s, carry):
            gathers = []
            for c in range(n_c):
                @pl.when(s > 0)
                def _wait_store(c=c):
                    pltpu.make_async_copy(
                        rows_v.at[c], out_hbm.at[0, pl.ds(b0, CH)], ssems[c]
                    ).wait()

                gathers.append(
                    pltpu.async_copy(
                        table_sp.at[idx_v.at[s, pl.ds(c * CH, CH)]],
                        rows_v.at[c],
                        gsem,
                    )
                )
            for c in range(n_c):
                gathers[c].wait()
                pltpu.async_copy(
                    rows_v.at[c],
                    out_hbm.at[s, pl.ds(b0 + c * CH, CH)],
                    ssems[c],
                )
            return carry

        lax.fori_loop(0, seq, per_seq, 0)
        for c in range(n_c):
            pltpu.make_async_copy(
                rows_v.at[c], out_hbm.at[0, pl.ds(b0, CH)], ssems[c]
            ).wait()

    return gather_kernel


def kernel(indices, weights):
    bsz, seq_len = indices.shape
    idx_t = jnp.swapaxes(indices, 0, 1).astype(jnp.int32)
    out = _make_gather(bsz, seq_len, weights.shape[0])(
        idx_t, weights.astype(jnp.float32))
    return jnp.swapaxes(out, 0, 1)

# --- scband reference (transcript-rebuilt; emitter-appended) ---
"""Pipeline reference for scband-one-hot-segment-embedding-33174327394975 (READ-ONLY COPY).

The authoritative reference and input builder live on the scoring server;
editing this copy changes nothing except your own understanding.
"""

import jax, jax.numpy as jnp
import numpy as np

NUM_EMBEDDINGS = 1000
EMBEDDING_DIM = 128
PADDING_IDX = 0
BSZ = 16384
SEQ_LEN = 50


def get_embedding(num_embeddings, embedding_dim, padding_idx):
    emb = jnp.eye(num_embeddings - padding_idx - 1, embedding_dim, dtype=jnp.float32)
    emb = jnp.concatenate([jnp.zeros((padding_idx + 1, embedding_dim), dtype=jnp.float32), emb], axis=0)
    return emb


def setup_inputs(seed: int = 0) -> dict:
    key = jax.random.key(seed)
    indices = jax.random.randint(key, (BSZ, SEQ_LEN), 0, NUM_EMBEDDINGS)
    weights = get_embedding(NUM_EMBEDDINGS, EMBEDDING_DIM, PADDING_IDX)
    return {"indices": indices, "weights": weights}


def reference(indices, weights):
    # Faithful translation of OneHotSegmentEmbedding.forward.
    # max_pos = padding_idx + 1 + indices.max() <= num_embeddings here, so
    # the lazily-regrown-table branch is never taken (weights already sized).
    bsz, seq_len = indices.shape
    flat = jnp.take(weights, indices.reshape(-1), axis=0)
    return flat.reshape(bsz, seq_len, -1)

if __name__ == "__main__":
    import jax
    _d = setup_inputs()
    print(jax.jit(kernel)(*tuple(_d.values())))

</pallas_src>

<mosaic_0001>
#map = affine_map<(d0, d1) -> (0, 0)>
#map1 = affine_map<(d0, d1) -> (0, 0, 0)>
module attributes {stable_mosaic.version = 14 : i64} {
  func.func @gather_kernel(%arg0: i32, %arg1: i32, %arg2: memref<50x16384xi32, #tpu.memory_space<hbm>>, %arg3: memref<1000x128xf32, #tpu.memory_space<hbm>>, %arg4: memref<50x16384x128xf32, #tpu.memory_space<hbm>>, %arg5: memref<50x512xi32, #tpu.memory_space<vmem>>, %arg6: memref<4x128x128xf32, #tpu.memory_space<vmem>>, %arg7: memref<1000x128xf32, #tpu.memory_space<vmem_shared>>, %arg8: memref<!tpu.dma_semaphore, #tpu.memory_space<semaphore_mem>>, %arg9: memref<!tpu.dma_semaphore, #tpu.memory_space<semaphore_mem>>, %arg10: memref<!tpu.dma_semaphore, #tpu.memory_space<semaphore_mem>>, %arg11: memref<!tpu.dma_semaphore, #tpu.memory_space<semaphore_mem>>, %arg12: memref<!tpu.dma_semaphore, #tpu.memory_space<semaphore_mem>>) attributes {dimension_semantics = [#tpu.dimension_semantics<core_parallel>, #tpu.dimension_semantics<subcore_parallel>], iteration_bounds = array<i64: 2, 16>, scalar_prefetch = 0 : i64, scratch_operands = 8 : i64, tpu.core_type = #tpu.core_type<sc_vector_subcore>, window_params = [{transform_indices = #map}, {transform_indices = #map}, {transform_indices = #map1}]} {
    %mul3A = arith.constant 2 : i32
    %mul3A_0 = arith.muli %arg1, %mul3A : i32
    %add3A = arith.addi %mul3A_0, %arg0 : i32
    %mul3A_1 = arith.constant 512 : i32
    %mul3A_2 = arith.muli %add3A, %mul3A_1 : i32
    %eq3A = arith.constant 0 : i32
    %eq3A_3 = arith.cmpi eq, %arg1, %eq3A : i32
    %convert_element_type3A = arith.extui %eq3A_3 : i1 to i32
    %cond3A = arith.constant 0 : i32
    %cond3A_4 = arith.cmpi ne, %convert_element_type3A, %cond3A : i32
    scf.if %cond3A_4 {
      "tpu.region"() ({
        %run_scoped3A = tpu.sem_alloc : memref<!tpu.dma_semaphore, #tpu.memory_space<semaphore_mem>>
        tpu.enqueue_dma source(%arg3 : memref<1000x128xf32, #tpu.memory_space<hbm>>) target(%arg7 : memref<1000x128xf32, #tpu.memory_space<vmem_shared>>) target_semaphore(%run_scoped3A : memref<!tpu.dma_semaphore, #tpu.memory_space<semaphore_mem>>)
        tpu.wait_dma2 semaphore(%run_scoped3A : memref<!tpu.dma_semaphore, #tpu.memory_space<semaphore_mem>>) src(%arg3 : memref<1000x128xf32, #tpu.memory_space<hbm>>) dst(%arg7 : memref<1000x128xf32, #tpu.memory_space<vmem_shared>>)
        tpu.yield
      }) : () -> ()
    } else {
    }
    "tpu.region"() ({
      %run_scoped3A = tpu.sem_alloc : memref<!tpu.dma_semaphore, #tpu.memory_space<semaphore_mem>>
      %dma_start3A = arith.constant 0 : i32
      %dma_start3A_73 = tpu.memref_slice %arg2[%dma_start3A, %mul3A_2] : memref<50x16384xi32, #tpu.memory_space<hbm>> -> memref<50x512xi32, #tpu.memory_space<hbm>>
      %dma_start3A_74 = arith.constant 0 : i32
      %dma_start3A_75 = tpu.memref_slice %arg2[%dma_start3A_74, %mul3A_2] : memref<50x16384xi32, #tpu.memory_space<hbm>> -> memref<50x512xi32, #tpu.memory_space<hbm>>
      tpu.enqueue_dma source(%dma_start3A_75 : memref<50x512xi32, #tpu.memory_space<hbm>>) target(%arg5 : memref<50x512xi32, #tpu.memory_space<vmem>>) target_semaphore(%run_scoped3A : memref<!tpu.dma_semaphore, #tpu.memory_space<semaphore_mem>>)
      %dma_wait3A_76 = arith.constant 0 : i32
      %dma_wait3A_77 = tpu.memref_slice %arg2[%dma_wait3A_76, %mul3A_2] : memref<50x16384xi32, #tpu.memory_space<hbm>> -> memref<50x512xi32, #tpu.memory_space<hbm>>
      %dma_wait3A_78 = arith.constant 0 : i32
      %dma_wait3A_79 = tpu.memref_slice %arg2[%dma_wait3A_78, %mul3A_2] : memref<50x16384xi32, #tpu.memory_space<hbm>> -> memref<50x512xi32, #tpu.memory_space<hbm>>
      tpu.wait_dma2 semaphore(%run_scoped3A : memref<!tpu.dma_semaphore, #tpu.memory_space<semaphore_mem>>) src(%dma_wait3A_79 : memref<50x512xi32, #tpu.memory_space<hbm>>) dst(%arg5 : memref<50x512xi32, #tpu.memory_space<vmem>>)
      tpu.yield
    }) : () -> ()
    %barrier3A = arith.constant 0 : index
    tpu.barrier barrier_id(%barrier3A)
    %scan3A = arith.constant 0 : i32
    %scan3A_5 = arith.constant 0 : i32
    %scan3A_6 = arith.constant 50 : i32
    %scan3A_7 = arith.addi %scan3A_5, %scan3A_6 : i32
    %scan3A_8 = arith.constant 1 : i32
    scf.for %scan3A_73 = %scan3A_5 to %scan3A_7 step %scan3A_8  : i32 {
      %gt3A = arith.constant 0 : i32
      %gt3A_74 = arith.cmpi sgt, %scan3A_73, %gt3A : i32
      %convert_element_type3A_75 = arith.extui %gt3A_74 : i1 to i32
      %cond3A_76 = arith.constant 0 : i32
      %cond3A_77 = arith.cmpi ne, %convert_element_type3A_75, %cond3A_76 : i32
      scf.if %cond3A_77 {
        %dma_wait3A_248 = arith.constant 0 : i32
        %dma_wait3A_249 = arith.constant 0 : i32
        %dma_wait3A_250 = arith.constant 0 : i32
        %dma_wait3A_251 = arith.constant 0 : i32
        %dma_wait3A_252 = tpu.memref_slice %arg6[%dma_wait3A_248, %dma_wait3A_250, %dma_wait3A_251] : memref<4x128x128xf32, #tpu.memory_space<vmem>> -> memref<1x128x128xf32, #tpu.memory_space<vmem>>
        %dma_wait3A_253 = tpu.memref_squeeze %dma_wait3A_252 : memref<1x128x128xf32, #tpu.memory_space<vmem>> -> memref<128x128xf32, #tpu.memory_space<vmem>>
        %dma_wait3A_254 = arith.constant 0 : i32
        %dma_wait3A_255 = tpu.memref_slice %arg4[%dma_wait3A_249, %mul3A_2, %dma_wait3A_254] : memref<50x16384x128xf32, #tpu.memory_space<hbm>> -> memref<1x128x128xf32, #tpu.memory_space<hbm>>
        %dma_wait3A_256 = tpu.memref_squeeze %dma_wait3A_255 : memref<1x128x128xf32, #tpu.memory_space<hbm>> -> memref<128x128xf32, #tpu.memory_space<hbm>>
        %dma_wait3A_257 = arith.constant 0 : i32
        %dma_wait3A_258 = tpu.memref_slice %arg4[%dma_wait3A_249, %mul3A_2, %dma_wait3A_257] : memref<50x16384x128xf32, #tpu.memory_space<hbm>> -> memref<1x128x128xf32, #tpu.memory_space<hbm>>
        %dma_wait3A_259 = tpu.memref_squeeze %dma_wait3A_258 : memref<1x128x128xf32, #tpu.memory_space<hbm>> -> memref<128x128xf32, #tpu.memory_space<hbm>>
        %dma_wait3A_260 = arith.constant 0 : i32
        %dma_wait3A_261 = arith.constant 0 : i32
        %dma_wait3A_262 = tpu.memref_slice %arg6[%dma_wait3A_248, %dma_wait3A_260, %dma_wait3A_261] : memref<4x128x128xf32, #tpu.memory_space<vmem>> -> memref<1x128x128xf32, #tpu.memory_space<vmem>>
        %dma_wait3A_263 = tpu.memref_squeeze %dma_wait3A_262 : memref<1x128x128xf32, #tpu.memory_space<vmem>> -> memref<128x128xf32, #tpu.memory_space<vmem>>
        tpu.wait_dma2 semaphore(%arg9 : memref<!tpu.dma_semaphore, #tpu.memory_space<semaphore_mem>>) src(%dma_wait3A_263 : memref<128x128xf32, #tpu.memory_space<vmem>>) dst(%dma_wait3A_259 : memref<128x128xf32, #tpu.memory_space<hbm>>)
      } else {
      }
      %dma_start3A = arith.constant 0 : i32
      %dma_start3A_78 = arith.constant 0 : i32
      %dma_start3A_79 = arith.constant 0 : i32
      %dma_start3A_80 = tpu.memref_slice %arg6[%dma_start3A, %dma_start3A_78, %dma_start3A_79] : memref<4x128x128xf32, #tpu.memory_space<vmem>> -> memref<1x128x128xf32, #tpu.memory_space<vmem>>
      %dma_start3A_81 = tpu.memref_squeeze %dma_start3A_80 : memref<1x128x128xf32, #tpu.memory_space<vmem>> -> memref<128x128xf32, #tpu.memory_space<vmem>>
      %dma_start3A_82 = arith.constant 0 : i32
      %dma_start3A_83 = tpu.memref_slice %arg5[%scan3A_73, %dma_start3A_82] : memref<50x512xi32, #tpu.memory_space<vmem>> -> memref<1x128xi32, #tpu.memory_space<vmem>>
      %dma_start3A_84 = tpu.memref_squeeze %dma_start3A_83 : memref<1x128xi32, #tpu.memory_space<vmem>> -> memref<128xi32, #tpu.memory_space<vmem>>
      %dma_start3A_85 = arith.constant 0 : i32
      %dma_start3A_86 = arith.constant 0 : i32
      %dma_start3A_87 = tpu.memref_slice %arg7[%dma_start3A_85, %dma_start3A_86] : memref<1000x128xf32, #tpu.memory_space<vmem_shared>> -> memref<1000x128xf32, #tpu.memory_space<vmem_shared>>
      tpu.enqueue_indirect_dma source(%dma_start3A_87 : memref<1000x128xf32, #tpu.memory_space<vmem_shared>>) target(%dma_start3A_81 : memref<128x128xf32, #tpu.memory_space<vmem>>) offsets(%dma_start3A_84 : memref<128xi32, #tpu.memory_space<vmem>>) semaphore(%arg8 : memref<!tpu.dma_semaphore, #tpu.memory_space<semaphore_mem>>)
      %gt3A_88 = arith.constant 0 : i32
      %gt3A_89 = arith.cmpi sgt, %scan3A_73, %gt3A_88 : i32
      %convert_element_type3A_90 = arith.extui %gt3A_89 : i1 to i32
      %cond3A_91 = arith.constant 0 : i32
      %cond3A_92 = arith.cmpi ne, %convert_element_type3A_90, %cond3A_91 : i32
      scf.if %cond3A_92 {
        %dma_wait3A_248 = arith.constant 1 : i32
        %dma_wait3A_249 = arith.constant 0 : i32
        %dma_wait3A_250 = arith.constant 0 : i32
        %dma_wait3A_251 = arith.constant 0 : i32
        %dma_wait3A_252 = tpu.memref_slice %arg6[%dma_wait3A_248, %dma_wait3A_250, %dma_wait3A_251] : memref<4x128x128xf32, #tpu.memory_space<vmem>> -> memref<1x128x128xf32, #tpu.memory_space<vmem>>
        %dma_wait3A_253 = tpu.memref_squeeze %dma_wait3A_252 : memref<1x128x128xf32, #tpu.memory_space<vmem>> -> memref<128x128xf32, #tpu.memory_space<vmem>>
        %dma_wait3A_254 = arith.constant 0 : i32
        %dma_wait3A_255 = tpu.memref_slice %arg4[%dma_wait3A_249, %mul3A_2, %dma_wait3A_254] : memref<50x16384x128xf32, #tpu.memory_space<hbm>> -> memref<1x128x128xf32, #tpu.memory_space<hbm>>
        %dma_wait3A_256 = tpu.memref_squeeze %dma_wait3A_255 : memref<1x128x128xf32, #tpu.memory_space<hbm>> -> memref<128x128xf32, #tpu.memory_space<hbm>>
        %dma_wait3A_257 = arith.constant 0 : i32
        %dma_wait3A_258 = tpu.memref_slice %arg4[%dma_wait3A_249, %mul3A_2, %dma_wait3A_257] : memref<50x16384x128xf32, #tpu.memory_space<hbm>> -> memref<1x128x128xf32, #tpu.memory_space<hbm>>
        %dma_wait3A_259 = tpu.memref_squeeze %dma_wait3A_258 : memref<1x128x128xf32, #tpu.memory_space<hbm>> -> memref<128x128xf32, #tpu.memory_space<hbm>>
        %dma_wait3A_260 = arith.constant 0 : i32
        %dma_wait3A_261 = arith.constant 0 : i32
        %dma_wait3A_262 = tpu.memref_slice %arg6[%dma_wait3A_248, %dma_wait3A_260, %dma_wait3A_261] : memref<4x128x128xf32, #tpu.memory_space<vmem>> -> memref<1x128x128xf32, #tpu.memory_space<vmem>>
        %dma_wait3A_263 = tpu.memref_squeeze %dma_wait3A_262 : memref<1x128x128xf32, #tpu.memory_space<vmem>> -> memref<128x128xf32, #tpu.memory_space<vmem>>
        tpu.wait_dma2 semaphore(%arg10 : memref<!tpu.dma_semaphore, #tpu.memory_space<semaphore_mem>>) src(%dma_wait3A_263 : memref<128x128xf32, #tpu.memory_space<vmem>>) dst(%dma_wait3A_259 : memref<128x128xf32, #tpu.memory_space<hbm>>)
      } else {
      }
      %dma_start3A_93 = arith.constant 1 : i32
      %dma_start3A_94 = arith.constant 0 : i32
      %dma_start3A_95 = arith.constant 0 : i32
      %dma_start3A_96 = tpu.memref_slice %arg6[%dma_start3A_93, %dma_start3A_94, %dma_start3A_95] : memref<4x128x128xf32, #tpu.memory_space<vmem>> -> memref<1x128x128xf32, #tpu.memory_space<vmem>>
      %dma_start3A_97 = tpu.memref_squeeze %dma_start3A_96 : memref<1x128x128xf32, #tpu.memory_space<vmem>> -> memref<128x128xf32, #tpu.memory_space<vmem>>
      %dma_start3A_98 = arith.constant 128 : i32
      %dma_start3A_99 = tpu.memref_slice %arg5[%scan3A_73, %dma_start3A_98] : memref<50x512xi32, #tpu.memory_space<vmem>> -> memref<1x128xi32, #tpu.memory_space<vmem>>
      %dma_start3A_100 = tpu.memref_squeeze %dma_start3A_99 : memref<1x128xi32, #tpu.memory_space<vmem>> -> memref<128xi32, #tpu.memory_space<vmem>>
      %dma_start3A_101 = arith.constant 0 : i32
      %dma_start3A_102 = arith.constant 0 : i32
      %dma_start3A_103 = tpu.memref_slice %arg7[%dma_start3A_101, %dma_start3A_102] : memref<1000x128xf32, #tpu.memory_space<vmem_shared>> -> memref<1000x128xf32, #tpu.memory_space<vmem_shared>>
      tpu.enqueue_indirect_dma source(%dma_start3A_103 : memref<1000x128xf32, #tpu.memory_space<vmem_shared>>) target(%dma_start3A_97 : memref<128x128xf32, #tpu.memory_space<vmem>>) offsets(%dma_start3A_100 : memref<128xi32, #tpu.memory_space<vmem>>) semaphore(%arg8 : memref<!tpu.dma_semaphore, #tpu.memory_space<semaphore_mem>>)
      %gt3A_104 = arith.constant 0 : i32
      %gt3A_105 = arith.cmpi sgt, %scan3A_73, %gt3A_104 : i32
      %convert_element_type3A_106 = arith.extui %gt3A_105 : i1 to i32
      %cond3A_107 = arith.constant 0 : i32
      %cond3A_108 = arith.cmpi ne, %convert_element_type3A_106, %cond3A_107 : i32
      scf.if %cond3A_108 {
        %dma_wait3A_248 = arith.constant 2 : i32
        %dma_wait3A_249 = arith.constant 0 : i32
        %dma_wait3A_250 = arith.constant 0 : i32
        %dma_wait3A_251 = arith.constant 0 : i32
        %dma_wait3A_252 = tpu.memref_slice %arg6[%dma_wait3A_248, %dma_wait3A_250, %dma_wait3A_251] : memref<4x128x128xf32, #tpu.memory_space<vmem>> -> memref<1x128x128xf32, #tpu.memory_space<vmem>>
        %dma_wait3A_253 = tpu.memref_squeeze %dma_wait3A_252 : memref<1x128x128xf32, #tpu.memory_space<vmem>> -> memref<128x128xf32, #tpu.memory_space<vmem>>
        %dma_wait3A_254 = arith.constant 0 : i32
        %dma_wait3A_255 = tpu.memref_slice %arg4[%dma_wait3A_249, %mul3A_2, %dma_wait3A_254] : memref<50x16384x128xf32, #tpu.memory_space<hbm>> -> memref<1x128x128xf32, #tpu.memory_space<hbm>>
        %dma_wait3A_256 = tpu.memref_squeeze %dma_wait3A_255 : memref<1x128x128xf32, #tpu.memory_space<hbm>> -> memref<128x128xf32, #tpu.memory_space<hbm>>
        %dma_wait3A_257 = arith.constant 0 : i32
        %dma_wait3A_258 = tpu.memref_slice %arg4[%dma_wait3A_249, %mul3A_2, %dma_wait3A_257] : memref<50x16384x128xf32, #tpu.memory_space<hbm>> -> memref<1x128x128xf32, #tpu.memory_space<hbm>>
        %dma_wait3A_259 = tpu.memref_squeeze %dma_wait3A_258 : memref<1x128x128xf32, #tpu.memory_space<hbm>> -> memref<128x128xf32, #tpu.memory_space<hbm>>
        %dma_wait3A_260 = arith.constant 0 : i32
        %dma_wait3A_261 = arith.constant 0 : i32
        %dma_wait3A_262 = tpu.memref_slice %arg6[%dma_wait3A_248, %dma_wait3A_260, %dma_wait3A_261] : memref<4x128x128xf32, #tpu.memory_space<vmem>> -> memref<1x128x128xf32, #tpu.memory_space<vmem>>
        %dma_wait3A_263 = tpu.memref_squeeze %dma_wait3A_262 : memref<1x128x128xf32, #tpu.memory_space<vmem>> -> memref<128x128xf32, #tpu.memory_space<vmem>>
        tpu.wait_dma2 semaphore(%arg11 : memref<!tpu.dma_semaphore, #tpu.memory_space<semaphore_mem>>) src(%dma_wait3A_263 : memref<128x128xf32, #tpu.memory_space<vmem>>) dst(%dma_wait3A_259 : memref<128x128xf32, #tpu.memory_space<hbm>>)
      } else {
      }
      %dma_start3A_109 = arith.constant 2 : i32
      %dma_start3A_110 = arith.constant 0 : i32
      %dma_start3A_111 = arith.constant 0 : i32
      %dma_start3A_112 = tpu.memref_slice %arg6[%dma_start3A_109, %dma_start3A_110, %dma_start3A_111] : memref<4x128x128xf32, #tpu.memory_space<vmem>> -> memref<1x128x128xf32, #tpu.memory_space<vmem>>
      %dma_start3A_113 = tpu.memref_squeeze %dma_start3A_112 : memref<1x128x128xf32, #tpu.memory_space<vmem>> -> memref<128x128xf32, #tpu.memory_space<vmem>>
      %dma_start3A_114 = arith.constant 256 : i32
      %dma_start3A_115 = tpu.memref_slice %arg5[%scan3A_73, %dma_start3A_114] : memref<50x512xi32, #tpu.memory_space<vmem>> -> memref<1x128xi32, #tpu.memory_space<vmem>>
      %dma_start3A_116 = tpu.memref_squeeze %dma_start3A_115 : memref<1x128xi32, #tpu.memory_space<vmem>> -> memref<128xi32, #tpu.memory_space<vmem>>
      %dma_start3A_117 = arith.constant 0 : i32
      %dma_start3A_118 = arith.constant 0 : i32
      %dma_start3A_119 = tpu.memref_slice %arg7[%dma_start3A_117, %dma_start3A_118] : memref<1000x128xf32, #tpu.memory_space<vmem_shared>> -> memref<1000x128xf32, #tpu.memory_space<vmem_shared>>
      tpu.enqueue_indirect_dma source(%dma_start3A_119 : memref<1000x128xf32, #tpu.memory_space<vmem_shared>>) target(%dma_start3A_113 : memref<128x128xf32, #tpu.memory_space<vmem>>) offsets(%dma_start3A_116 : memref<128xi32, #tpu.memory_space<vmem>>) semaphore(%arg8 : memref<!tpu.dma_semaphore, #tpu.memory_space<semaphore_mem>>)
      %gt3A_120 = arith.constant 0 : i32
      %gt3A_121 = arith.cmpi sgt, %scan3A_73, %gt3A_120 : i32
      %convert_element_type3A_122 = arith.extui %gt3A_121 : i1 to i32
      %cond3A_123 = arith.constant 0 : i32
      %cond3A_124 = arith.cmpi ne, %convert_element_type3A_122, %cond3A_123 : i32
      scf.if %cond3A_124 {
        %dma_wait3A_248 = arith.constant 3 : i32
        %dma_wait3A_249 = arith.constant 0 : i32
        %dma_wait3A_250 = arith.constant 0 : i32
        %dma_wait3A_251 = arith.constant 0 : i32
        %dma_wait3A_252 = tpu.memref_slice %arg6[%dma_wait3A_248, %dma_wait3A_250, %dma_wait3A_251] : memref<4x128x128xf32, #tpu.memory_space<vmem>> -> memref<1x128x128xf32, #tpu.memory_space<vmem>>
        %dma_wait3A_253 = tpu.memref_squeeze %dma_wait3A_252 : memref<1x128x128xf32, #tpu.memory_space<vmem>> -> memref<128x128xf32, #tpu.memory_space<vmem>>
        %dma_wait3A_254 = arith.constant 0 : i32
        %dma_wait3A_255 = tpu.memref_slice %arg4[%dma_wait3A_249, %mul3A_2, %dma_wait3A_254] : memref<50x16384x128xf32, #tpu.memory_space<hbm>> -> memref<1x128x128xf32, #tpu.memory_space<hbm>>
        %dma_wait3A_256 = tpu.memref_squeeze %dma_wait3A_255 : memref<1x128x128xf32, #tpu.memory_space<hbm>> -> memref<128x128xf32, #tpu.memory_space<hbm>>
        %dma_wait3A_257 = arith.constant 0 : i32
        %dma_wait3A_258 = tpu.memref_slice %arg4[%dma_wait3A_249, %mul3A_2, %dma_wait3A_257] : memref<50x16384x128xf32, #tpu.memory_space<hbm>> -> memref<1x128x128xf32, #tpu.memory_space<hbm>>
        %dma_wait3A_259 = tpu.memref_squeeze %dma_wait3A_258 : memref<1x128x128xf32, #tpu.memory_space<hbm>> -> memref<128x128xf32, #tpu.memory_space<hbm>>
        %dma_wait3A_260 = arith.constant 0 : i32
        %dma_wait3A_261 = arith.constant 0 : i32
        %dma_wait3A_262 = tpu.memref_slice %arg6[%dma_wait3A_248, %dma_wait3A_260, %dma_wait3A_261] : memref<4x128x128xf32, #tpu.memory_space<vmem>> -> memref<1x128x128xf32, #tpu.memory_space<vmem>>
        %dma_wait3A_263 = tpu.memref_squeeze %dma_wait3A_262 : memref<1x128x128xf32, #tpu.memory_space<vmem>> -> memref<128x128xf32, #tpu.memory_space<vmem>>
        tpu.wait_dma2 semaphore(%arg12 : memref<!tpu.dma_semaphore, #tpu.memory_space<semaphore_mem>>) src(%dma_wait3A_263 : memref<128x128xf32, #tpu.memory_space<vmem>>) dst(%dma_wait3A_259 : memref<128x128xf32, #tpu.memory_space<hbm>>)
      } else {
      }
      %dma_start3A_125 = arith.constant 3 : i32
      %dma_start3A_126 = arith.constant 0 : i32
      %dma_start3A_127 = arith.constant 0 : i32
      %dma_start3A_128 = tpu.memref_slice %arg6[%dma_start3A_125, %dma_start3A_126, %dma_start3A_127] : memref<4x128x128xf32, #tpu.memory_space<vmem>> -> memref<1x128x128xf32, #tpu.memory_space<vmem>>
      %dma_start3A_129 = tpu.memref_squeeze %dma_start3A_128 : memref<1x128x128xf32, #tpu.memory_space<vmem>> -> memref<128x128xf32, #tpu.memory_space<vmem>>
      %dma_start3A_130 = arith.constant 384 : i32
      %dma_start3A_131 = tpu.memref_slice %arg5[%scan3A_73, %dma_start3A_130] : memref<50x512xi32, #tpu.memory_space<vmem>> -> memref<1x128xi32, #tpu.memory_space<vmem>>
      %dma_start3A_132 = tpu.memref_squeeze %dma_start3A_131 : memref<1x128xi32, #tpu.memory_space<vmem>> -> memref<128xi32, #tpu.memory_space<vmem>>
      %dma_start3A_133 = arith.constant 0 : i32
      %dma_start3A_134 = arith.constant 0 : i32
      %dma_start3A_135 = tpu.memref_slice %arg7[%dma_start3A_133, %dma_start3A_134] : memref<1000x128xf32, #tpu.memory_space<vmem_shared>> -> memref<1000x128xf32, #tpu.memory_space<vmem_shared>>
      tpu.enqueue_indirect_dma source(%dma_start3A_135 : memref<1000x128xf32, #tpu.memory_space<vmem_shared>>) target(%dma_start3A_129 : memref<128x128xf32, #tpu.memory_space<vmem>>) offsets(%dma_start3A_132 : memref<128xi32, #tpu.memory_space<vmem>>) semaphore(%arg8 : memref<!tpu.dma_semaphore, #tpu.memory_space<semaphore_mem>>)
      %dma_wait3A_136 = arith.constant 0 : i32
      %dma_wait3A_137 = arith.constant 0 : i32
      %dma_wait3A_138 = arith.constant 0 : i32
      %dma_wait3A_139 = tpu.memref_slice %arg6[%dma_wait3A_136, %dma_wait3A_137, %dma_wait3A_138] : memref<4x128x128xf32, #tpu.memory_space<vmem>> -> memref<1x128x128xf32, #tpu.memory_space<vmem>>
      %dma_wait3A_140 = tpu.memref_squeeze %dma_wait3A_139 : memref<1x128x128xf32, #tpu.memory_space<vmem>> -> memref<128x128xf32, #tpu.memory_space<vmem>>
      %dma_wait3A_141 = arith.constant 0 : i32
      %dma_wait3A_142 = tpu.memref_slice %arg5[%scan3A_73, %dma_wait3A_141] : memref<50x512xi32, #tpu.memory_space<vmem>> -> memref<1x128xi32, #tpu.memory_space<vmem>>
      %dma_wait3A_143 = tpu.memref_squeeze %dma_wait3A_142 : memref<1x128xi32, #tpu.memory_space<vmem>> -> memref<128xi32, #tpu.memory_space<vmem>>
      %dma_wait3A_144 = arith.constant 0 : i32
      %dma_wait3A_145 = arith.constant 0 : i32
      %dma_wait3A_146 = tpu.memref_slice %arg7[%dma_wait3A_144, %dma_wait3A_145] : memref<1000x128xf32, #tpu.memory_space<vmem_shared>> -> memref<1000x128xf32, #tpu.memory_space<vmem_shared>>
      tpu.wait_indirect_dma semaphore(%arg8 : memref<!tpu.dma_semaphore, #tpu.memory_space<semaphore_mem>>) src(%dma_wait3A_146 : memref<1000x128xf32, #tpu.memory_space<vmem_shared>>) dst(%dma_wait3A_140 : memref<128x128xf32, #tpu.memory_space<vmem>>)
      %add3A_147 = arith.constant 0 : i32
      %add3A_148 = arith.addi %mul3A_2, %add3A_147 : i32
      %dma_start3A_149 = arith.constant 0 : i32
      %dma_start3A_150 = arith.constant 0 : i32
      %dma_start3A_151 = arith.constant 0 : i32
      %dma_start3A_152 = tpu.memref_slice %arg6[%dma_start3A_149, %dma_start3A_150, %dma_start3A_151] : memref<4x128x128xf32, #tpu.memory_space<vmem>> -> memref<1x128x128xf32, #tpu.memory_space<vmem>>
      %dma_start3A_153 = tpu.memref_squeeze %dma_start3A_152 : memref<1x128x128xf32, #tpu.memory_space<vmem>> -> memref<128x128xf32, #tpu.memory_space<vmem>>
      %dma_start3A_154 = arith.constant 0 : i32
      %dma_start3A_155 = tpu.memref_slice %arg4[%scan3A_73, %add3A_148, %dma_start3A_154] : memref<50x16384x128xf32, #tpu.memory_space<hbm>> -> memref<1x128x128xf32, #tpu.memory_space<hbm>>
      %dma_start3A_156 = tpu.memref_squeeze %dma_start3A_155 : memref<1x128x128xf32, #tpu.memory_space<hbm>> -> memref<128x128xf32, #tpu.memory_space<hbm>>
      %dma_start3A_157 = arith.constant 0 : i32
      %dma_start3A_158 = tpu.memref_slice %arg4[%scan3A_73, %add3A_148, %dma_start3A_157] : memref<50x16384x128xf32, #tpu.memory_space<hbm>> -> memref<1x128x128xf32, #tpu.memory_space<hbm>>
      %dma_start3A_159 = tpu.memref_squeeze %dma_start3A_158 : memref<1x128x128xf32, #tpu.memory_space<hbm>> -> memref<128x128xf32, #tpu.memory_space<hbm>>
      %dma_start3A_160 = arith.constant 0 : i32
      %dma_start3A_161 = arith.constant 0 : i32
      %dma_start3A_162 = tpu.memref_slice %arg6[%dma_start3A_149, %dma_start3A_160, %dma_start3A_161] : memref<4x128x128xf32, #tpu.memory_space<vmem>> -> memref<1x128x128xf32, #tpu.memory_space<vmem>>
      %dma_start3A_163 = tpu.memref_squeeze %dma_start3A_162 : memref<1x128x128xf32, #tpu.memory_space<vmem>> -> memref<128x128xf32, #tpu.memory_space<vmem>>
      tpu.enqueue_dma source(%dma_start3A_163 : memref<128x128xf32, #tpu.memory_space<vmem>>) target(%dma_start3A_159 : memref<128x128xf32, #tpu.memory_space<hbm>>) target_semaphore(%arg9 : memref<!tpu.dma_semaphore, #tpu.memory_space<semaphore_mem>>)
      %dma_wait3A_164 = arith.constant 1 : i32
      %dma_wait3A_165 = arith.constant 0 : i32
      %dma_wait3A_166 = arith.constant 0 : i32
      %dma_wait3A_167 = tpu.memref_slice %arg6[%dma_wait3A_164, %dma_wait3A_165, %dma_wait3A_166] : memref<4x128x128xf32, #tpu.memory_space<vmem>> -> memref<1x128x128xf32, #tpu.memory_space<vmem>>
      %dma_wait3A_168 = tpu.memref_squeeze %dma_wait3A_167 : memref<1x128x128xf32, #tpu.memory_space<vmem>> -> memref<128x128xf32, #tpu.memory_space<vmem>>
      %dma_wait3A_169 = arith.constant 128 : i32
      %dma_wait3A_170 = tpu.memref_slice %arg5[%scan3A_73, %dma_wait3A_169] : memref<50x512xi32, #tpu.memory_space<vmem>> -> memref<1x128xi32, #tpu.memory_space<vmem>>
      %dma_wait3A_171 = tpu.memref_squeeze %dma_wait3A_170 : memref<1x128xi32, #tpu.memory_space<vmem>> -> memref<128xi32, #tpu.memory_space<vmem>>
      %dma_wait3A_172 = arith.constant 0 : i32
      %dma_wait3A_173 = arith.constant 0 : i32
      %dma_wait3A_174 = tpu.memref_slice %arg7[%dma_wait3A_172, %dma_wait3A_173] : memref<1000x128xf32, #tpu.memory_space<vmem_shared>> -> memref<1000x128xf32, #tpu.memory_space<vmem_shared>>
      tpu.wait_indirect_dma semaphore(%arg8 : memref<!tpu.dma_semaphore, #tpu.memory_space<semaphore_mem>>) src(%dma_wait3A_174 : memref<1000x128xf32, #tpu.memory_space<vmem_shared>>) dst(%dma_wait3A_168 : memref<128x128xf32, #tpu.memory_space<vmem>>)
      %add3A_175 = arith.constant 128 : i32
      %add3A_176 = arith.addi %mul3A_2, %add3A_175 : i32
      %dma_start3A_177 = arith.constant 1 : i32
      %dma_start3A_178 = arith.constant 0 : i32
      %dma_start3A_179 = arith.constant 0 : i32
      %dma_start3A_180 = tpu.memref_slice %arg6[%dma_start3A_177, %dma_start3A_178, %dma_start3A_179] : memref<4x128x128xf32, #tpu.memory_space<vmem>> -> memref<1x128x128xf32, #tpu.memory_space<vmem>>
      %dma_start3A_181 = tpu.memref_squeeze %dma_start3A_180 : memref<1x128x128xf32, #tpu.memory_space<vmem>> -> memref<128x128xf32, #tpu.memory_space<vmem>>
      %dma_start3A_182 = arith.constant 0 : i32
      %dma_start3A_183 = tpu.memref_slice %arg4[%scan3A_73, %add3A_176, %dma_start3A_182] : memref<50x16384x128xf32, #tpu.memory_space<hbm>> -> memref<1x128x128xf32, #tpu.memory_space<hbm>>
      %dma_start3A_184 = tpu.memref_squeeze %dma_start3A_183 : memref<1x128x128xf32, #tpu.memory_space<hbm>> -> memref<128x128xf32, #tpu.memory_space<hbm>>
      %dma_start3A_185 = arith.constant 0 : i32
      %dma_start3A_186 = tpu.memref_slice %arg4[%scan3A_73, %add3A_176, %dma_start3A_185] : memref<50x16384x128xf32, #tpu.memory_space<hbm>> -> memref<1x128x128xf32, #tpu.memory_space<hbm>>
      %dma_start3A_187 = tpu.memref_squeeze %dma_start3A_186 : memref<1x128x128xf32, #tpu.memory_space<hbm>> -> memref<128x128xf32, #tpu.memory_space<hbm>>
      %dma_start3A_188 = arith.constant 0 : i32
      %dma_start3A_189 = arith.constant 0 : i32
      %dma_start3A_190 = tpu.memref_slice %arg6[%dma_start3A_177, %dma_start3A_188, %dma_start3A_189] : memref<4x128x128xf32, #tpu.memory_space<vmem>> -> memref<1x128x128xf32, #tpu.memory_space<vmem>>
      %dma_start3A_191 = tpu.memref_squeeze %dma_start3A_190 : memref<1x128x128xf32, #tpu.memory_space<vmem>> -> memref<128x128xf32, #tpu.memory_space<vmem>>
      tpu.enqueue_dma source(%dma_start3A_191 : memref<128x128xf32, #tpu.memory_space<vmem>>) target(%dma_start3A_187 : memref<128x128xf32, #tpu.memory_space<hbm>>) target_semaphore(%arg10 : memref<!tpu.dma_semaphore, #tpu.memory_space<semaphore_mem>>)
      %dma_wait3A_192 = arith.constant 2 : i32
      %dma_wait3A_193 = arith.constant 0 : i32
      %dma_wait3A_194 = arith.constant 0 : i32
      %dma_wait3A_195 = tpu.memref_slice %arg6[%dma_wait3A_192, %dma_wait3A_193, %dma_wait3A_194] : memref<4x128x128xf32, #tpu.memory_space<vmem>> -> memref<1x128x128xf32, #tpu.memory_space<vmem>>
      %dma_wait3A_196 = tpu.memref_squeeze %dma_wait3A_195 : memref<1x128x128xf32, #tpu.memory_space<vmem>> -> memref<128x128xf32, #tpu.memory_space<vmem>>
      %dma_wait3A_197 = arith.constant 256 : i32
      %dma_wait3A_198 = tpu.memref_slice %arg5[%scan3A_73, %dma_wait3A_197] : memref<50x512xi32, #tpu.memory_space<vmem>> -> memref<1x128xi32, #tpu.memory_space<vmem>>
      %dma_wait3A_199 = tpu.memref_squeeze %dma_wait3A_198 : memref<1x128xi32, #tpu.memory_space<vmem>> -> memref<128xi32, #tpu.memory_space<vmem>>
      %dma_wait3A_200 = arith.constant 0 : i32
      %dma_wait3A_201 = arith.constant 0 : i32
      %dma_wait3A_202 = tpu.memref_slice %arg7[%dma_wait3A_200, %dma_wait3A_201] : memref<1000x128xf32, #tpu.memory_space<vmem_shared>> -> memref<1000x128xf32, #tpu.memory_space<vmem_shared>>
      tpu.wait_indirect_dma semaphore(%arg8 : memref<!tpu.dma_semaphore, #tpu.memory_space<semaphore_mem>>) src(%dma_wait3A_202 : memref<1000x128xf32, #tpu.memory_space<vmem_shared>>) dst(%dma_wait3A_196 : memref<128x128xf32, #tpu.memory_space<vmem>>)
      %add3A_203 = arith.constant 256 : i32
      %add3A_204 = arith.addi %mul3A_2, %add3A_203 : i32
      %dma_start3A_205 = arith.constant 2 : i32
      %dma_start3A_206 = arith.constant 0 : i32
      %dma_start3A_207 = arith.constant 0 : i32
      %dma_start3A_208 = tpu.memref_slice %arg6[%dma_start3A_205, %dma_start3A_206, %dma_start3A_207] : memref<4x128x128xf32, #tpu.memory_space<vmem>> -> memref<1x128x128xf32, #tpu.memory_space<vmem>>
      %dma_start3A_209 = tpu.memref_squeeze %dma_start3A_208 : memref<1x128x128xf32, #tpu.memory_space<vmem>> -> memref<128x128xf32, #tpu.memory_space<vmem>>
      %dma_start3A_210 = arith.constant 0 : i32
      %dma_start3A_211 = tpu.memref_slice %arg4[%scan3A_73, %add3A_204, %dma_start3A_210] : memref<50x16384x128xf32, #tpu.memory_space<hbm>> -> memref<1x128x128xf32, #tpu.memory_space<hbm>>
      %dma_start3A_212 = tpu.memref_squeeze %dma_start3A_211 : memref<1x128x128xf32, #tpu.memory_space<hbm>> -> memref<128x128xf32, #tpu.memory_space<hbm>>
      %dma_start3A_213 = arith.constant 0 : i32
      %dma_start3A_214 = tpu.memref_slice %arg4[%scan3A_73, %add3A_204, %dma_start3A_213] : memref<50x16384x128xf32, #tpu.memory_space<hbm>> -> memref<1x128x128xf32, #tpu.memory_space<hbm>>
      %dma_start3A_215 = tpu.memref_squeeze %dma_start3A_214 : memref<1x128x128xf32, #tpu.memory_space<hbm>> -> memref<128x128xf32, #tpu.memory_space<hbm>>
      %dma_start3A_216 = arith.constant 0 : i32
      %dma_start3A_217 = arith.constant 0 : i32
      %dma_start3A_218 = tpu.memref_slice %arg6[%dma_start3A_205, %dma_start3A_216, %dma_start3A_217] : memref<4x128x128xf32, #tpu.memory_space<vmem>> -> memref<1x128x128xf32, #tpu.memory_space<vmem>>
      %dma_start3A_219 = tpu.memref_squeeze %dma_start3A_218 : memref<1x128x128xf32, #tpu.memory_space<vmem>> -> memref<128x128xf32, #tpu.memory_space<vmem>>
      tpu.enqueue_dma source(%dma_start3A_219 : memref<128x128xf32, #tpu.memory_space<vmem>>) target(%dma_start3A_215 : memref<128x128xf32, #tpu.memory_space<hbm>>) target_semaphore(%arg11 : memref<!tpu.dma_semaphore, #tpu.memory_space<semaphore_mem>>)
      %dma_wait3A_220 = arith.constant 3 : i32
      %dma_wait3A_221 = arith.constant 0 : i32
      %dma_wait3A_222 = arith.constant 0 : i32
      %dma_wait3A_223 = tpu.memref_slice %arg6[%dma_wait3A_220, %dma_wait3A_221, %dma_wait3A_222] : memref<4x128x128xf32, #tpu.memory_space<vmem>> -> memref<1x128x128xf32, #tpu.memory_space<vmem>>
      %dma_wait3A_224 = tpu.memref_squeeze %dma_wait3A_223 : memref<1x128x128xf32, #tpu.memory_space<vmem>> -> memref<128x128xf32, #tpu.memory_space<vmem>>
      %dma_wait3A_225 = arith.constant 384 : i32
      %dma_wait3A_226 = tpu.memref_slice %arg5[%scan3A_73, %dma_wait3A_225] : memref<50x512xi32, #tpu.memory_space<vmem>> -> memref<1x128xi32, #tpu.memory_space<vmem>>
      %dma_wait3A_227 = tpu.memref_squeeze %dma_wait3A_226 : memref<1x128xi32, #tpu.memory_space<vmem>> -> memref<128xi32, #tpu.memory_space<vmem>>
      %dma_wait3A_228 = arith.constant 0 : i32
      %dma_wait3A_229 = arith.constant 0 : i32
      %dma_wait3A_230 = tpu.memref_slice %arg7[%dma_wait3A_228, %dma_wait3A_229] : memref<1000x128xf32, #tpu.memory_space<vmem_shared>> -> memref<1000x128xf32, #tpu.memory_space<vmem_shared>>
      tpu.wait_indirect_dma semaphore(%arg8 : memref<!tpu.dma_semaphore, #tpu.memory_space<semaphore_mem>>) src(%dma_wait3A_230 : memref<1000x128xf32, #tpu.memory_space<vmem_shared>>) dst(%dma_wait3A_224 : memref<128x128xf32, #tpu.memory_space<vmem>>)
      %add3A_231 = arith.constant 384 : i32
      %add3A_232 = arith.addi %mul3A_2, %add3A_231 : i32
      %dma_start3A_233 = arith.constant 3 : i32
      %dma_start3A_234 = arith.constant 0 : i32
      %dma_start3A_235 = arith.constant 0 : i32
      %dma_start3A_236 = tpu.memref_slice %arg6[%dma_start3A_233, %dma_start3A_234, %dma_start3A_235] : memref<4x128x128xf32, #tpu.memory_space<vmem>> -> memref<1x128x128xf32, #tpu.memory_space<vmem>>
      %dma_start3A_237 = tpu.memref_squeeze %dma_start3A_236 : memref<1x128x128xf32, #tpu.memory_space<vmem>> -> memref<128x128xf32, #tpu.memory_space<vmem>>
      %dma_start3A_238 = arith.constant 0 : i32
      %dma_start3A_239 = tpu.memref_slice %arg4[%scan3A_73, %add3A_232, %dma_start3A_238] : memref<50x16384x128xf32, #tpu.memory_space<hbm>> -> memref<1x128x128xf32, #tpu.memory_space<hbm>>
      %dma_start3A_240 = tpu.memref_squeeze %dma_start3A_239 : memref<1x128x128xf32, #tpu.memory_space<hbm>> -> memref<128x128xf32, #tpu.memory_space<hbm>>
      %dma_start3A_241 = arith.constant 0 : i32
      %dma_start3A_242 = tpu.memref_slice %arg4[%scan3A_73, %add3A_232, %dma_start3A_241] : memref<50x16384x128xf32, #tpu.memory_space<hbm>> -> memref<1x128x128xf32, #tpu.memory_space<hbm>>
      %dma_start3A_243 = tpu.memref_squeeze %dma_start3A_242 : memref<1x128x128xf32, #tpu.memory_space<hbm>> -> memref<128x128xf32, #tpu.memory_space<hbm>>
      %dma_start3A_244 = arith.constant 0 : i32
      %dma_start3A_245 = arith.constant 0 : i32
      %dma_start3A_246 = tpu.memref_slice %arg6[%dma_start3A_233, %dma_start3A_244, %dma_start3A_245] : memref<4x128x128xf32, #tpu.memory_space<vmem>> -> memref<1x128x128xf32, #tpu.memory_space<vmem>>
      %dma_start3A_247 = tpu.memref_squeeze %dma_start3A_246 : memref<1x128x128xf32, #tpu.memory_space<vmem>> -> memref<128x128xf32, #tpu.memory_space<vmem>>
      tpu.enqueue_dma source(%dma_start3A_247 : memref<128x128xf32, #tpu.memory_space<vmem>>) target(%dma_start3A_243 : memref<128x128xf32, #tpu.memory_space<hbm>>) target_semaphore(%arg12 : memref<!tpu.dma_semaphore, #tpu.memory_space<semaphore_mem>>)
    }
    %scan3A_9 = arith.constant 50 : i32
    %dma_wait3A = arith.constant 0 : i32
    %dma_wait3A_10 = arith.constant 0 : i32
    %dma_wait3A_11 = arith.constant 0 : i32
    %dma_wait3A_12 = arith.constant 0 : i32
    %dma_wait3A_13 = tpu.memref_slice %arg6[%dma_wait3A, %dma_wait3A_11, %dma_wait3A_12] : memref<4x128x128xf32, #tpu.memory_space<vmem>> -> memref<1x128x128xf32, #tpu.memory_space<vmem>>
    %dma_wait3A_14 = tpu.memref_squeeze %dma_wait3A_13 : memref<1x128x128xf32, #tpu.memory_space<vmem>> -> memref<128x128xf32, #tpu.memory_space<vmem>>
    %dma_wait3A_15 = arith.constant 0 : i32
    %dma_wait3A_16 = tpu.memref_slice %arg4[%dma_wait3A_10, %mul3A_2, %dma_wait3A_15] : memref<50x16384x128xf32, #tpu.memory_space<hbm>> -> memref<1x128x128xf32, #tpu.memory_space<hbm>>
    %dma_wait3A_17 = tpu.memref_squeeze %dma_wait3A_16 : memref<1x128x128xf32, #tpu.memory_space<hbm>> -> memref<128x128xf32, #tpu.memory_space<hbm>>
    %dma_wait3A_18 = arith.constant 0 : i32
    %dma_wait3A_19 = tpu.memref_slice %arg4[%dma_wait3A_10, %mul3A_2, %dma_wait3A_18] : memref<50x16384x128xf32, #tpu.memory_space<hbm>> -> memref<1x128x128xf32, #tpu.memory_space<hbm>>
    %dma_wait3A_20 = tpu.memref_squeeze %dma_wait3A_19 : memref<1x128x128xf32, #tpu.memory_space<hbm>> -> memref<128x128xf32, #tpu.memory_space<hbm>>
    %dma_wait3A_21 = arith.constant 0 : i32
    %dma_wait3A_22 = arith.constant 0 : i32
    %dma_wait3A_23 = tpu.memref_slice %arg6[%dma_wait3A, %dma_wait3A_21, %dma_wait3A_22] : memref<4x128x128xf32, #tpu.memory_space<vmem>> -> memref<1x128x128xf32, #tpu.memory_space<vmem>>
    %dma_wait3A_24 = tpu.memref_squeeze %dma_wait3A_23 : memref<1x128x128xf32, #tpu.memory_space<vmem>> -> memref<128x128xf32, #tpu.memory_space<vmem>>
    tpu.wait_dma2 semaphore(%arg9 : memref<!tpu.dma_semaphore, #tpu.memory_space<semaphore_mem>>) src(%dma_wait3A_24 : memref<128x128xf32, #tpu.memory_space<vmem>>) dst(%dma_wait3A_20 : memref<128x128xf32, #tpu.memory_space<hbm>>)
    %dma_wait3A_25 = arith.constant 1 : i32
    %dma_wait3A_26 = arith.constant 0 : i32
    %dma_wait3A_27 = arith.constant 0 : i32
    %dma_wait3A_28 = arith.constant 0 : i32
    %dma_wait3A_29 = tpu.memref_slice %arg6[%dma_wait3A_25, %dma_wait3A_27, %dma_wait3A_28] : memref<4x128x128xf32, #tpu.memory_space<vmem>> -> memref<1x128x128xf32, #tpu.memory_space<vmem>>
    %dma_wait3A_30 = tpu.memref_squeeze %dma_wait3A_29 : memref<1x128x128xf32, #tpu.memory_space<vmem>> -> memref<128x128xf32, #tpu.memory_space<vmem>>
    %dma_wait3A_31 = arith.constant 0 : i32
    %dma_wait3A_32 = tpu.memref_slice %arg4[%dma_wait3A_26, %mul3A_2, %dma_wait3A_31] : memref<50x16384x128xf32, #tpu.memory_space<hbm>> -> memref<1x128x128xf32, #tpu.memory_space<hbm>>
    %dma_wait3A_33 = tpu.memref_squeeze %dma_wait3A_32 : memref<1x128x128xf32, #tpu.memory_space<hbm>> -> memref<128x128xf32, #tpu.memory_space<hbm>>
    %dma_wait3A_34 = arith.constant 0 : i32
    %dma_wait3A_35 = tpu.memref_slice %arg4[%dma_wait3A_26, %mul3A_2, %dma_wait3A_34] : memref<50x16384x128xf32, #tpu.memory_space<hbm>> -> memref<1x128x128xf32, #tpu.memory_space<hbm>>
    %dma_wait3A_36 = tpu.memref_squeeze %dma_wait3A_35 : memref<1x128x128xf32, #tpu.memory_space<hbm>> -> memref<128x128xf32, #tpu.memory_space<hbm>>
    %dma_wait3A_37 = arith.constant 0 : i32
    %dma_wait3A_38 = arith.constant 0 : i32
    %dma_wait3A_39 = tpu.memref_slice %arg6[%dma_wait3A_25, %dma_wait3A_37, %dma_wait3A_38] : memref<4x128x128xf32, #tpu.memory_space<vmem>> -> memref<1x128x128xf32, #tpu.memory_space<vmem>>
    %dma_wait3A_40 = tpu.memref_squeeze %dma_wait3A_39 : memref<1x128x128xf32, #tpu.memory_space<vmem>> -> memref<128x128xf32, #tpu.memory_space<vmem>>
    tpu.wait_dma2 semaphore(%arg10 : memref<!tpu.dma_semaphore, #tpu.memory_space<semaphore_mem>>) src(%dma_wait3A_40 : memref<128x128xf32, #tpu.memory_space<vmem>>) dst(%dma_wait3A_36 : memref<128x128xf32, #tpu.memory_space<hbm>>)
    %dma_wait3A_41 = arith.constant 2 : i32
    %dma_wait3A_42 = arith.constant 0 : i32
    %dma_wait3A_43 = arith.constant 0 : i32
    %dma_wait3A_44 = arith.constant 0 : i32
    %dma_wait3A_45 = tpu.memref_slice %arg6[%dma_wait3A_41, %dma_wait3A_43, %dma_wait3A_44] : memref<4x128x128xf32, #tpu.memory_space<vmem>> -> memref<1x128x128xf32, #tpu.memory_space<vmem>>
    %dma_wait3A_46 = tpu.memref_squeeze %dma_wait3A_45 : memref<1x128x128xf32, #tpu.memory_space<vmem>> -> memref<128x128xf32, #tpu.memory_space<vmem>>
    %dma_wait3A_47 = arith.constant 0 : i32
    %dma_wait3A_48 = tpu.memref_slice %arg4[%dma_wait3A_42, %mul3A_2, %dma_wait3A_47] : memref<50x16384x128xf32, #tpu.memory_space<hbm>> -> memref<1x128x128xf32, #tpu.memory_space<hbm>>
    %dma_wait3A_49 = tpu.memref_squeeze %dma_wait3A_48 : memref<1x128x128xf32, #tpu.memory_space<hbm>> -> memref<128x128xf32, #tpu.memory_space<hbm>>
    %dma_wait3A_50 = arith.constant 0 : i32
    %dma_wait3A_51 = tpu.memref_slice %arg4[%dma_wait3A_42, %mul3A_2, %dma_wait3A_50] : memref<50x16384x128xf32, #tpu.memory_space<hbm>> -> memref<1x128x128xf32, #tpu.memory_space<hbm>>
    %dma_wait3A_52 = tpu.memref_squeeze %dma_wait3A_51 : memref<1x128x128xf32, #tpu.memory_space<hbm>> -> memref<128x128xf32, #tpu.memory_space<hbm>>
    %dma_wait3A_53 = arith.constant 0 : i32
    %dma_wait3A_54 = arith.constant 0 : i32
    %dma_wait3A_55 = tpu.memref_slice %arg6[%dma_wait3A_41, %dma_wait3A_53, %dma_wait3A_54] : memref<4x128x128xf32, #tpu.memory_space<vmem>> -> memref<1x128x128xf32, #tpu.memory_space<vmem>>
    %dma_wait3A_56 = tpu.memref_squeeze %dma_wait3A_55 : memref<1x128x128xf32, #tpu.memory_space<vmem>> -> memref<128x128xf32, #tpu.memory_space<vmem>>
    tpu.wait_dma2 semaphore(%arg11 : memref<!tpu.dma_semaphore, #tpu.memory_space<semaphore_mem>>) src(%dma_wait3A_56 : memref<128x128xf32, #tpu.memory_space<vmem>>) dst(%dma_wait3A_52 : memref<128x128xf32, #tpu.memory_space<hbm>>)
    %dma_wait3A_57 = arith.constant 3 : i32
    %dma_wait3A_58 = arith.constant 0 : i32
    %dma_wait3A_59 = arith.constant 0 : i32
    %dma_wait3A_60 = arith.constant 0 : i32
    %dma_wait3A_61 = tpu.memref_slice %arg6[%dma_wait3A_57, %dma_wait3A_59, %dma_wait3A_60] : memref<4x128x128xf32, #tpu.memory_space<vmem>> -> memref<1x128x128xf32, #tpu.memory_space<vmem>>
    %dma_wait3A_62 = tpu.memref_squeeze %dma_wait3A_61 : memref<1x128x128xf32, #tpu.memory_space<vmem>> -> memref<128x128xf32, #tpu.memory_space<vmem>>
    %dma_wait3A_63 = arith.constant 0 : i32
    %dma_wait3A_64 = tpu.memref_slice %arg4[%dma_wait3A_58, %mul3A_2, %dma_wait3A_63] : memref<50x16384x128xf32, #tpu.memory_space<hbm>> -> memref<1x128x128xf32, #tpu.memory_space<hbm>>
    %dma_wait3A_65 = tpu.memref_squeeze %dma_wait3A_64 : memref<1x128x128xf32, #tpu.memory_space<hbm>> -> memref<128x128xf32, #tpu.memory_space<hbm>>
    %dma_wait3A_66 = arith.constant 0 : i32
    %dma_wait3A_67 = tpu.memref_slice %arg4[%dma_wait3A_58, %mul3A_2, %dma_wait3A_66] : memref<50x16384x128xf32, #tpu.memory_space<hbm>> -> memref<1x128x128xf32, #tpu.memory_space<hbm>>
    %dma_wait3A_68 = tpu.memref_squeeze %dma_wait3A_67 : memref<1x128x128xf32, #tpu.memory_space<hbm>> -> memref<128x128xf32, #tpu.memory_space<hbm>>
    %dma_wait3A_69 = arith.constant 0 : i32
    %dma_wait3A_70 = arith.constant 0 : i32
    %dma_wait3A_71 = tpu.memref_slice %arg6[%dma_wait3A_57, %dma_wait3A_69, %dma_wait3A_70] : memref<4x128x128xf32, #tpu.memory_space<vmem>> -> memref<1x128x128xf32, #tpu.memory_space<vmem>>
    %dma_wait3A_72 = tpu.memref_squeeze %dma_wait3A_71 : memref<1x128x128xf32, #tpu.memory_space<vmem>> -> memref<128x128xf32, #tpu.memory_space<vmem>>
    tpu.wait_dma2 semaphore(%arg12 : memref<!tpu.dma_semaphore, #tpu.memory_space<semaphore_mem>>) src(%dma_wait3A_72 : memref<128x128xf32, #tpu.memory_space<vmem>>) dst(%dma_wait3A_68 : memref<128x128xf32, #tpu.memory_space<hbm>>)
    return
  }
}

</mosaic_0001>

<sc_bundles>
// kernel: kernel.3.cloned.1.call-start
scs
__scs_entry_jumppad:
0x0: {  	(pc) =	sbr.rel $0x88, $3  }
0x1: {  	(tag) =	ssettag $0x0;
	lr =	simm.s32 $0x1  }
0x2: {  	[smem:$0x3F9F] =	sst lr;
	_ =	strace $0xD0000000  }
0x3: {  	_ = 	snop  }
0x4: {  	_ = 	snop  }
0x5: {  	_ = 	snop  }
0x6: {  	_ = 	snop  }
0x7: {  	_ = 	snop  }
__scs_overlays_trampoline_lowered:
0x8: {  	[smem:$0x3FAE] =	sst s0  }
0x9: {  	[smem:$0x3FAF] =	sst s1  }
0xa: {  	[smem:$0x3FB0] =	sst s2  }
0xb: {  	[smem:$0x3FB1] =	sst s3  }
0xc: {  	[smem:$0x3FB2] =	sst s4  }
0xd: {  	[smem:$0x3FB3] =	sst s5  }
0xe: {  	[smem:$0x3FB4] =	sst s6  }
0xf: {  	[smem:$0x3FB5] =	sst s7  }
0x10: {  	[smem:$0x3FB6] =	sst s8  }
0x11: {  	[smem:$0x3FB7] =	sst s9;
	s0 =	simm.s32 @!p0 $0x0  }
0x12: {  	s1 =	sld [smem:$0x3F9D];
	s0 =	simm.s32 @p0 $0x1  }
0x13: {  	[smem:$0x3FB8] =	sst s0;
	s0 =	simm.s32 @!p1 $0x0  }
0x14: {  	s2 =	sld [smem:$0x3F9C];
	s0 =	simm.s32 @p1 $0x1  }
0x15: {  	[smem:$0x3FB9] =	sst s0;
	s0 =	simm.s32 @!p2 $0x0  }
0x16: {  	s3 =	sld [smem:$0x3FDB];
	s0 =	simm.s32 @p2 $0x1  }
0x17: {  	s4 =	simm.s32 $0x1BF5;
	[smem:$0x3FBB] =	sst s0  }
0x18: {  	s0 =	sld [smem:$0x3F9E];
	_ =	swait.ge [sflag:s4], $0x0  }
0x19: {  	s7 =	sld [smem:$0x3F9F]  }
0x1a: {  	s8 =	sadd.s32 $0xFFFFE003, lr  }
0x1b: {  	s9 =	sadd.s32 $0xFFFFFEF7, lr;
	s5 =	simm.s32 $0xFFFFFFFF;
	p2 =	slt.u32 s8, $0xFFFFF086  }
0x1c: {  	p1 =	slt.u32 s9, $0xF7A;
	s5 =	simm.s32 @!p2 $0x0  }
0x1d: {  	s5 =	simm.s32 @p1 $0x1;
	p0 =	seq.s32 s7, s2  }
0x1e: {  	s7 =	smul.u32 @!p0 $0xF7A, s2;
	p2 =	seq.s32 @!p0 s5, $0x0  }
0x1f: {  	s9 =	smul.u32 $0xF7A, s1;
	s8 =	simm.s32 @!p0 $0x1BF5;
	p2 =	por !p2, p0  }
0x20: {  	[sflag:s8] =	ssyncset.s32 @!p0 $0xFFFFF086;
	s6 =	sadd.s32 @!p0 s3, s7;
	s7 =	simm.s32 @!p0 $0x108  }
0x21: {  	s3 =	sadd.s32 s3, s9;
	s6 =	sadd.s32 @!p0 $0x88, s6;
	s7 =	simm.s32 @p2 $0x1082  }
0x22: {  	[simem:s7], [sflag:s8] =	dma.local @!p0 [hbm:s6], $0xF7A  }
0x23: {  	s9 =	sor.u32 $0xD0000000, s2;
	s6 =	simm.s32 $0x108;
	_ =	swait.ge @!p0 [sflag:s8], $0x0  }
0x24: {  	s3 =	sadd.s32 $0x88, s3;
	s6 =	simm.s32 @!p1 $0x1082;
	[sflag:s4] =	ssyncset.s32 $0xFFFFF086  }
0x25: {  	[simem:s6], [sflag:s4] =	dma.local [hbm:s3], $0xF7A  }
0x26: {  	[smem:$0x3F9F] =	sst s1;
	(tag) =	ssettag s2;
	_ =	strace s9  }
0x27: {  	s1 =	sld [smem:$0x3FAF]  }
0x28: {  	s2 =	sld [smem:$0x3FB0]  }
0x29: {  	s4 =	sld [smem:$0x3FB2]  }
0x2a: {  	p0 =	seq.s32 s5, $0x0;
	s5 =	sld [smem:$0x3FB3]  }
0x2b: {  	s6 =	sld [smem:$0x3FB4]  }
0x2c: {  	s7 =	sld [smem:$0x3FB5]  }
0x2d: {  	s3 =	simm.s32 $0x108;
	s8 =	sld [smem:$0x3FB6]  }
0x2e: {  	s3 =	simm.s32 @!p0 $0x1082;
	s9 =	sld [smem:$0x3FB7]  }
0x2f: {  	lr =	sadd.s32 s0, s3;
	s0 =	sld [smem:$0x3FAE]  }
0x30: {  	s3 =	sld [smem:$0x3FB1]  }
0x31: {  	[smem:$0x3FBA] =	sst s10  }
0x32: {  	s10 =	sld [smem:$0x3FB8];
	_ =	sdelay $0x3  }
0x33: {  	p0 =	seq.s32 s10, $0x1;
	s10 =	sld [smem:$0x3FBA];
	_ =	sdelay $0x3  }
0x34: {  	[smem:$0x3FBA] =	sst s10  }
0x35: {  	s10 =	sld [smem:$0x3FB9];
	_ =	sdelay $0x3  }
0x36: {  	p1 =	seq.s32 s10, $0x1;
	s10 =	sld [smem:$0x3FBA];
	_ =	sdelay $0x3  }
0x37: {  	[smem:$0x3FBA] =	sst s10  }
0x38: {  	s10 =	sld [smem:$0x3FBB]  }
0x39: {  	_ = 	snop;
	(pc) =	sbr.ind lr, $3  }
0x3a: {  	_ = 	snop  }
0x3b: {  	_ = 	snop  }
0x3c: {  	p2 =	seq.s32 s10, $0x1;
	s10 =	sld [smem:$0x3FBA]  }
0x3d: {  	_ =	shalt  }
0x3e: {  	_ =	shalt  }
0x3f: {  	_ =	shalt  }
0x40: {  	_ =	shalt  }
0x41: {  	_ =	shalt  }
0x42: {  	_ =	shalt  }
0x43: {  	_ =	shalt  }
0x44: {  	_ =	shalt  }
0x45: {  	_ =	shalt  }
0x46: {  	_ =	shalt  }
0x47: {  	_ =	shalt  }
0x48: {  	_ =	shalt  }
0x49: {  	_ =	shalt  }
0x4a: {  	_ =	shalt  }
0x4b: {  	_ =	shalt  }
0x4c: {  	_ =	shalt  }
0x4d: {  	_ =	shalt  }
0x4e: {  	_ =	shalt  }
0x4f: {  	_ =	shalt  }
0x50: {  	_ =	shalt  }
0x51: {  	_ =	shalt  }
0x52: {  	_ =	shalt  }
0x53: {  	_ =	shalt  }
0x54: {  	_ =	shalt  }
0x55: {  	_ =	shalt  }
0x56: {  	_ =	shalt  }
0x57: {  	_ =	shalt  }
0x58: {  	_ =	shalt  }
0x59: {  	_ =	shalt  }
0x5a: {  	_ =	shalt  }
0x5b: {  	_ =	shalt  }
0x5c: {  	_ =	shalt  }
0x5d: {  	_ =	shalt  }
0x5e: {  	_ =	shalt  }
0x5f: {  	_ =	shalt  }
0x60: {  	_ =	shalt  }
0x61: {  	_ =	shalt  }
0x62: {  	_ =	shalt  }
0x63: {  	_ =	shalt  }
0x64: {  	_ =	shalt  }
0x65: {  	_ =	shalt  }
0x66: {  	_ =	shalt  }
0x67: {  	_ =	shalt  }
0x68: {  	_ =	shalt  }
0x69: {  	_ =	shalt  }
0x6a: {  	_ =	shalt  }
0x6b: {  	_ =	shalt  }
0x6c: {  	_ =	shalt  }
0x6d: {  	_ =	shalt  }
0x6e: {  	_ =	shalt  }
0x6f: {  	_ =	shalt  }
0x70: {  	_ =	shalt  }
0x71: {  	_ =	shalt  }
0x72: {  	_ =	shalt  }
0x73: {  	_ =	shalt  }
0x74: {  	_ =	shalt  }
0x75: {  	_ =	shalt  }
0x76: {  	_ =	shalt  }
0x77: {  	_ =	shalt  }
0x78: {  	_ =	shalt  }
0x79: {  	_ =	shalt  }
0x7a: {  	_ =	shalt  }
0x7b: {  	_ =	shalt  }
0x7c: {  	_ =	shalt  }
0x7d: {  	_ =	shalt  }
0x7e: {  	_ =	shalt  }
0x7f: {  	_ =	shalt  }
0x80: {  	_ =	shalt  }
0x81: {  	_ =	shalt  }
0x82: {  	_ =	shalt  }
0x83: {  	_ =	shalt  }
0x84: {  	_ =	shalt  }
0x85: {  	_ =	shalt  }
0x86: {  	_ =	shalt  }
0x87: {  	_ =	shalt  }
.Lfunc_end0:
.L_simem_size_0:
called_computation_lowered:
.L_overlay_start_0:
0x88: {  	s2 =	sld [smem:$0x3FD9]  }
0x89: {  	s3 =	sld [smem:$0x3FFE];
	_ =	sdelay $0x1  }
0x8a: {  	s1 =	srdreg.scid  }
0x8b: {  	s0 =	sand.u32 $0x1, s1  }
0x8c: {  	s18 =	sshll.u32 s0, $0xA;
	s2 =	sadd.s32 s3, s2  }
0x8d: {  	s2 =	sadd.s32 s2, s18  }
0x8e: {  	[smem:$0x3FC6] =	sst s2  }
0x8f: {  	_ = 	snop  }
0x90: {  	s2 =	sld [smem:$0x3FC9]  }
0x91: {  	s19 =	sld [smem:$0x3FC8]  }
0x92: {  	s4 =	sld [smem:$0x3FD0];
	(tm) =	ssettm $0x1  }
0x93: {  	s5 =	sld [smem:$0x3FFB];
	_ =	sdelay $0x3  }
0x94: {  	_ =	strace s5  }
0x95: {  	s5 =	sld [smem:$0x3FFC];
	_ =	sdelay $0x3  }
0x96: {  	_ =	strace s5  }
0x97: {  	s5 =	sld [smem:$0x3FFD];
	_ =	sdelay $0x3  }
0x98: {  	_ =	strace s5  }
0x99: {  	_ =	strace $0x8FFFFFFF  }
0x9a: {  	s20 =	sld [smem:$0x3FDB];
	_ =	sdelay $0x1  }
0x9b: {  	s6 =	simm.s32 $_scs_section_size  }
0x9c: {  	s7 =	simm.s32 $_size__tile_overlayer_lowered;
	s8 =	simm.s32 $_tile_overlayer_lowered  }
0x9d: {  	s23 =	simm.s32 $0x1BFF;
	s22 =	sshll.u32 s8, $0x1;
	s5 =	sadd.s32 s6, s20  }
0x9e: {  	s9 =	simm.s32 $0x0;
	s21 =	sshll.u32 s7, $0x1;
	s7 =	sadd.s32 s22, s5  }
0x9f: {  	[timem:s9], [sflag:s23] =	dma.local [hbm:s7], s21  }
0xa0: {  	_ =	swait.ge [sflag:s23], s21  }
0xa1: {  	s6 =	ssub.s32 $0x0, s21;
	[sflag:s23] =	ssyncset.done $0x0  }
0xa2: {  	[sflag:s23] =	ssyncadd.s32 s6;
	_ =	sdelay $0x1  }
0xa3: {  	s24 =	simm.s32 $0x1B8B  }
0xa4: {  	_ =	swait.ge [sflag:s24], $0x1  }
0xa5: {  	[sflag:s24] =	ssyncset.done $0x0  }
0xa6: {  	s25 =	simm.s32 $0x1B8E;
	[sflag:s24] =	ssyncadd.s32 $0xFFFFFFFF  }
0xa7: {  	s26 =	simm.s32 $execute0_lowered;
	[smem:$0x3FD2] =	sst s25  }
0xa8: {  	s6 =	sshll.u32 s26, $0x1;
	_ =	strace $0x80000046;
	[dreg:$0x1] =	wrdreg $0xFFFFFFFF  }
0xa9: {  	s28 =	simm.s32 $_size_execute0_lowered;
	s5 =	sadd.s32 s5, s6;
	[dreg:$0x0] =	wrdreg $0x0  }
0xaa: {  	s6 =	sshll.u32 s28, $0x1;
	[dreg:$0x2] =	wrdreg s5  }
0xab: {  	[dreg:$0x3] =	wrdreg s6  }
0xac: {  	[dreg:$0x4] =	wrdreg $0xC0  }
0xad: {  	_ =	task [dreg:s9], $0x5FFFF  }
0xae: {  	[dreg:$0x1] =	wrdreg $0xFFFFFFFF  }
0xaf: {  	[dreg:$0x0] =	wrdreg $0x60  }
0xb0: {  	[dreg:$0x2] =	wrdreg s2  }
0xb1: {  	[dreg:$0x3] =	wrdreg s19  }
0xb2: {  	[dreg:$0x4] =	wrdreg s4  }
0xb3: {  	[dreg:$0x5] =	wrdreg $0x170000  }
0xb4: {  	[dreg:$0x6] =	wrdreg $0x9  }
0xb5: {  	_ =	task.clear_ibuf [dreg:s9], $0x7FFFF;
	_ =	strace $0x90000046  }
0xb6: {  	s29 =	simm.s32 $0x9;
	_ =	strace $0x80000048  }
0xb7: {  	_ =	swait.ge [sflag:s29], $0x1  }
0xb8: {  	[sflag:s29] =	ssyncadd.s32 $0xFFFFFFFF  }
0xb9: {  	_ =	strace $0x90000048  }
0xba: {  	_ =	sfence  }
0xbb: {  	s30 =	sld [smem:$0x0];
	_ =	sdelay $0x2  }
0xbc: {  	s31 =	sshll.u32 s1, $0xD;
	s1 =	sshrl.u32 s1, $0x2  }
0xbd: {  	s3 =	sand.u32 $0x4000, s31;
	s1 =	sadd.s32 s1, s30  }
0xbe: {  	s0 =	sor.u32 s3, s0;
	s1 =	sshll.u32 s1, $0x11  }
0xbf: {  	s0 =	sor.u32 s1, s0  }
0xc0: {  	s0 =	sadd.s32 $0x8F2B, s0  }
0xc1: {  	[sflag:s0] =	ssyncadd.remote.s32 $0x1  }
0xc2: {  	_ =	sfence.sel $0xFFFF  }
0xc3: {  	[dreg:$0x0] =	wrdreg $0xFFFFFFFF;
	(pc) =	sbr.abs _section_cstart, $3  }
0xc4: {  	[dreg:$0x1] =	wrdreg $0xFFFFFFFF  }
0xc5: {  	_ =	task.clear_ibuf [dreg:s9], $0x2FFFF;
	_ =	strace $0x9FFFFFFF  }
0xc6: {  	(tm) =	ssettm $0x7FFFFFFF  }
0xc7: {  	_ =	shalt  }
tec
execute0_lowered:
.L_overlay_start_1:
0x0: {  	(tag) =	ssettag $0x1  }
0x1: {  	s0 =	rddreg [dreg:$0x0]  }
0x2: {  	s2 =	rddreg [dreg:$0x2]  }
0x3: {  	s3 =	rddreg [dreg:$0x3];
	s1 =	srdreg.scid;
	s4 =	simm.s32 $0x0  }
0x4: {  	s5 =	stileid.u32;
	s18 =	simm.s32 $0x6;
	s28 =	simm.s32 $0x2  }
0x5: {  	s29 =	simm.s32 $0x80;
	s30 =	simm.s32 $0x3;
	s31 =	simm.s32 $0x4  }
0x6: {  	s1 =	sand.u32 $0x1, s1;
	[smem:$0x7FF] =	sst s4;
	s8 =	sshll.u32 s5, $0xA  }
0x7: {  	s22 =	sshll.u32 s5, $0x11;
	p0 =	sne.s32 s5, $0x0;
	s6 =	ssub.s32 $0x2, s1  }
0x8: {  	s9 =	sshll.u32 s1, $0x9;
	_ =	strace $0x80000047;
	s1 =	sshll.u32 s1, $0x10  }
0x9: {  	s15 =	sshrl.u32 @!p0 s3, $0x3;
	s7 =	sshrl.u32 s6, $0x1;
	s19 =	sor.u32 s9, s8  }
0xa: {  	s6 =	ssub.s32 s6, s7;
	s0 =	sadd.s32 s0, s19;
	s21 =	sshll.u32 s19, $0x4  }
0xb: {  	s19 =	simm.s32 $0x7000;
	[dreg:$0x5] =	wrdreg s0;
	s20 =	smax.u32 s6, $0x1  }
0xc: {  	s7 =	sadd.s32 s2, s21;
	s0 =	sor.u32 s1, s22;
	s21 =	simm.s32 $0xB000  }
0xd: {  	[dreg:$0x6] =	wrdreg s20;
	s23 =	sadd.s32 $0x800, s7;
	s24 =	sadd.s32 $0x1000, s7  }
0xe: {  	s10 =	sadd.s32 $0x1800, s7;
	s1 =	sor.u32 $0x20C000, s0;
	s25 =	sor.u32 $0x208000, s0  }
0xf: {  	s13 =	sor.u32 $0x204000, s0;
	s14 =	sor.u32 $0x200000, s0;
	[dreg:$0x7] =	wrdreg s23  }
0x10: {  	s0 =	simm.s32 $0x5;
	[dreg:$0x8] =	wrdreg s24;
	s1 =	sshrl.u32 s1, $0x3  }
0x11: {  	s11 =	sshrl.u32 s25, $0x3;
	s26 =	sshrl.u32 s13, $0x3;
	s23 =	simm.s32 $0xF000  }
0x12: {  	s25 =	simm.s32 $0x13000;
	s6 =	sadd.s32 s1, s2;
	s12 =	sadd.s32 s11, s2  }
0x13: {  	s13 =	sadd.s32 s26, s2;
	s26 =	simm.s32 $0x1;
	s1 =	simm.s32 $0x0  }
.LBB2_1:
0x14: {  	s5 =	simm.s32 @!p0 $0x1C06;
	s8 =	rddreg [dreg:$0x1]  }
0x15: {  	[spmem:s15], [sflag:s5] =	dma.local @!p0 [hbm:s8], $0x3E80  }
0x16: {  	s5 =	simm.s32 @!p0 $0x6  }
0x17: {  	_ =	swait.ge @!p0 [sflag:s5], $0x3E80  }
0x18: {  	s24 =	simm.s32 $0x1000;
	[sflag:s5] =	ssyncset.done @!p0 $0x0  }
0x19: {  	s9 =	simm.s32 $0x20000;
	s22 =	rddreg [dreg:$0x5];
	[sflag:s5] =	ssyncadd.s32 @!p0 $0xFFFFC180  }
0x1a: {  	[tilespmem:s4], [sflag:$0x6] =	stream.strided.gather [hbm4b:s22+s24], $0x7000, s9, s24, $0x38;
	[tilespmem:$0x18F40] =	vst v63  }
0x1b: {  	_ =	swait.ge [sflag:s18], $0x7000  }
0x1c: {  	[sflag:s18] =	ssyncset.done $0x0  }
0x1d: {  	[sflag:s18] =	ssyncadd.s32 $0xFFFF9000  }
0x1e: {  	[bflag:$0x0] =	sbarrier.arrive $0xFFFF  }
0x1f: {  	[tilespmem:s19], [sflag:$0x1] =	stream.indirect.gather [spmem:s3], $0x80, s4, s29, $0xb8;
	[tilespmem:$0x18F40] =	vst v63  }
0x20: {  	s8 =	simm.s32 $0x400  }
0x21: {  	[tilespmem:s21], [sflag:$0x1] =	stream.indirect.gather [spmem:s3], $0x80, s8, s29, $0xb8;
	[tilespmem:$0x18F40] =	vst v63  }
0x22: {  	s9 =	simm.s32 $0x800  }
0x23: {  	[tilespmem:s23], [sflag:$0x1] =	stream.indirect.gather [spmem:s3], $0x80, s9, s29, $0xb8;
	[tilespmem:$0x18F40] =	vst v63  }
0x24: {  	s11 =	simm.s32 $0xC00  }
0x25: {  	[tilespmem:s25], [sflag:$0x1] =	stream.indirect.gather [spmem:s3], $0x80, s11, s29, $0xb8;
	[tilespmem:$0x18F40] =	vst v63  }
0x26: {  	_ =	swait.ge [sflag:s26], $0x4000  }
0x27: {  	[sflag:s26] =	ssyncset.done $0x0  }
0x28: {  	[sflag:s26] =	ssyncadd.s32 $0xFFFFC000  }
0x29: {  	[hbm4b:s7+s4] =	stream.linear.scatter [tilespmem:s19], [sflag:$0x2], $0x4000, $0x38;
	[tilespmem:$0x18F40] =	vst v63  }
0x2a: {  	_ =	swait.ge [sflag:s26], $0x4000  }
0x2b: {  	[sflag:s26] =	ssyncset.done $0x0  }
0x2c: {  	s16 =	rddreg [dreg:$0x7];
	[sflag:s26] =	ssyncadd.s32 $0xFFFFC000  }
0x2d: {  	[hbm4b:s16+s4] =	stream.linear.scatter [tilespmem:s21], [sflag:$0x3], $0x4000, $0x38;
	[tilespmem:$0x18F40] =	vst v63  }
0x2e: {  	_ =	swait.ge [sflag:s26], $0x4000  }
0x2f: {  	[sflag:s26] =	ssyncset.done $0x0  }
0x30: {  	s17 =	rddreg [dreg:$0x8];
	[sflag:s26] =	ssyncadd.s32 $0xFFFFC000  }
0x31: {  	[hbm4b:s17+s4] =	stream.linear.scatter [tilespmem:s23], [sflag:$0x4], $0x4000, $0x38;
	[tilespmem:$0x18F40] =	vst v63  }
0x32: {  	_ =	swait.ge [sflag:s26], $0x4000  }
0x33: {  	[sflag:s26] =	ssyncset.done $0x0  }
0x34: {  	[sflag:s26] =	ssyncadd.s32 $0xFFFFC000  }
0x35: {  	[hbm4b:s10+s4] =	stream.linear.scatter [tilespmem:s25], [sflag:$0x5], $0x4000, $0x38;
	[tilespmem:$0x18F40] =	vst v63  }
0x36: {  	s20 =	simm.s32 $0x200;
	_ =	swait.ge [sflag:s28], $0x4000  }
0x37: {  	s5 =	sand.u32 $0x7000, s20;
	s11 =	sand.u32 $0x380, s29;
	[sflag:s28] =	ssyncset.done $0x0  }
0x38: {  	s5 =	sor.u32 s11, s5;
	[sflag:s28] =	ssyncadd.s32 $0xFFFFC000  }
0x39: {  	[tilespmem:s19], [sflag:$0x1] =	stream.indirect.gather [spmem:s3], $0x80, s5, s29, $0xb8;
	[tilespmem:$0x18F40] =	vst v63  }
0x3a: {  	_ =	swait.ge [sflag:s30], $0x4000  }
0x3b: {  	[sflag:s30] =	ssyncset.done $0x0  }
0x3c: {  	s11 =	sor.u32 $0x400, s5;
	[sflag:s30] =	ssyncadd.s32 $0xFFFFC000  }
0x3d: {  	[tilespmem:s21], [sflag:$0x1] =	stream.indirect.gather [spmem:s3], $0x80, s11, s29, $0xb8;
	[tilespmem:$0x18F40] =	vst v63  }
0x3e: {  	_ =	swait.ge [sflag:s31], $0x4000  }
0x3f: {  	[sflag:s31] =	ssyncset.done $0x0  }
0x40: {  	s22 =	sor.u32 $0x800, s5;
	[sflag:s31] =	ssyncadd.s32 $0xFFFFC000  }
0x41: {  	[tilespmem:s23], [sflag:$0x1] =	stream.indirect.gather [spmem:s3], $0x80, s22, s29, $0xb8;
	[tilespmem:$0x18F40] =	vst v63  }
0x42: {  	_ =	swait.ge [sflag:s0], $0x4000  }
0x43: {  	[sflag:s0] =	ssyncset.done $0x0  }
0x44: {  	s5 =	sor.u32 $0xC00, s5;
	[sflag:s0] =	ssyncadd.s32 $0xFFFFC000  }
0x45: {  	[tilespmem:s25], [sflag:$0x1] =	stream.indirect.gather [spmem:s3], $0x80, s5, s29, $0xb8;
	[tilespmem:$0x18F40] =	vst v63  }
0x46: {  	_ =	swait.ge [sflag:s26], $0x4000  }
0x47: {  	s24 =	sshrl.u32 s14, $0x3;
	[sflag:s26] =	ssyncset.done $0x0  }
0x48: {  	s5 =	sadd.s32 s2, s24;
	[sflag:s26] =	ssyncadd.s32 $0xFFFFC000  }
0x49: {  	[hbm4b:s5+s4] =	stream.linear.scatter [tilespmem:s19], [sflag:$0x2], $0x4000, $0x38;
	[tilespmem:$0x18F40] =	vst v63  }
0x4a: {  	_ =	swait.ge [sflag:s26], $0x4000  }
0x4b: {  	[sflag:s26] =	ssyncset.done $0x0  }
0x4c: {  	[sflag:s26] =	ssyncadd.s32 $0xFFFFC000  }
0x4d: {  	[hbm4b:s13+s4] =	stream.linear.scatter [tilespmem:s21], [sflag:$0x3], $0x4000, $0x38;
	[tilespmem:$0x18F40] =	vst v63  }
0x4e: {  	_ =	swait.ge [sflag:s26], $0x4000  }
0x4f: {  	[sflag:s26] =	ssyncset.done $0x0  }
0x50: {  	s20 =	sadd.s32 $0x40000, s13;
	[sflag:s26] =	ssyncadd.s32 $0xFFFFC000  }
0x51: {  	[hbm4b:s12+s4] =	stream.linear.scatter [tilespmem:s23], [sflag:$0x4], $0x4000, $0x38;
	[tilespmem:$0x18F40] =	vst v63  }
0x52: {  	s16 =	simm.s32 $0x400;
	s17 =	simm.s32 $0x100;
	_ =	swait.ge [sflag:s26], $0x4000  }
0x53: {  	s11 =	smov.u32 s6;
	s22 =	sadd.s32 $0x200000, s14;
	[sflag:s26] =	ssyncset.done $0x0  }
0x54: {  	s24 =	sadd.s32 $0x40000, s6;
	s5 =	sadd.s32 $0x40000, s12;
	[sflag:s26] =	ssyncadd.s32 $0xFFFFC000  }
.LBB2_2:
0x55: {  	[hbm4b:s11+s4] =	stream.linear.scatter [tilespmem:s25], [sflag:$0x5], $0x4000, $0x38;
	[tilespmem:$0x18F40] =	vst v63  }
0x56: {  	s8 =	smov.u32 s16;
	s11 =	smov.u32 s24  }
0x57: {  	p1 =	sne.s32 s16, $0x6200;
	s16 =	sadd.s32 $0x200, s16;
	_ =	swait.ge [sflag:s28], $0x4000  }
0x58: {  	s9 =	sand.u32 $0x380, s17;
	s8 =	sand.u32 $0x7000, s8;
	[sflag:s28] =	ssyncset.done $0x0  }
0x59: {  	s8 =	sor.u32 s9, s8;
	[sflag:s28] =	ssyncadd.s32 $0xFFFFC000  }
0x5a: {  	[tilespmem:s19], [sflag:$0x1] =	stream.indirect.gather [spmem:s3], $0x80, s8, s29, $0xb8;
	[tilespmem:$0x18F40] =	vst v63  }
0x5b: {  	_ =	swait.ge [sflag:s30], $0x4000  }
0x5c: {  	[sflag:s30] =	ssyncset.done $0x0  }
0x5d: {  	s9 =	sor.u32 $0x400, s8;
	[sflag:s30] =	ssyncadd.s32 $0xFFFFC000  }
0x5e: {  	[tilespmem:s21], [sflag:$0x1] =	stream.indirect.gather [spmem:s3], $0x80, s9, s29, $0xb8;
	[tilespmem:$0x18F40] =	vst v63  }
0x5f: {  	_ =	swait.ge [sflag:s31], $0x4000  }
0x60: {  	[sflag:s31] =	ssyncset.done $0x0  }
0x61: {  	s9 =	sor.u32 $0x800, s8;
	[sflag:s31] =	ssyncadd.s32 $0xFFFFC000  }
0x62: {  	[tilespmem:s23], [sflag:$0x1] =	stream.indirect.gather [spmem:s3], $0x80, s9, s29, $0xb8;
	[tilespmem:$0x18F40] =	vst v63  }
0x63: {  	_ =	swait.ge [sflag:s0], $0x4000  }
0x64: {  	[sflag:s0] =	ssyncset.done $0x0  }
0x65: {  	s8 =	sor.u32 $0xC00, s8;
	[sflag:s0] =	ssyncadd.s32 $0xFFFFC000  }
0x66: {  	[tilespmem:s25], [sflag:$0x1] =	stream.indirect.gather [spmem:s3], $0x80, s8, s29, $0xb8;
	[tilespmem:$0x18F40] =	vst v63  }
0x67: {  	_ =	swait.ge [sflag:s26], $0x4000  }
0x68: {  	s8 =	sshrl.u32 s22, $0x3;
	[sflag:s26] =	ssyncset.done $0x0  }
0x69: {  	s8 =	sadd.s32 s2, s8;
	[sflag:s26] =	ssyncadd.s32 $0xFFFFC000  }
0x6a: {  	[hbm4b:s8+s4] =	stream.linear.scatter [tilespmem:s19], [sflag:$0x2], $0x4000, $0x38;
	[tilespmem:$0x18F40] =	vst v63  }
0x6b: {  	_ =	swait.ge [sflag:s26], $0x4000  }
0x6c: {  	[sflag:s26] =	ssyncset.done $0x0  }
0x6d: {  	[sflag:s26] =	ssyncadd.s32 $0xFFFFC000  }
0x6e: {  	[hbm4b:s20+s4] =	stream.linear.scatter [tilespmem:s21], [sflag:$0x3], $0x4000, $0x38;
	[tilespmem:$0x18F40] =	vst v63  }
0x6f: {  	_ =	swait.ge [sflag:s26], $0x4000  }
0x70: {  	[sflag:s26] =	ssyncset.done $0x0  }
.Ltmp0:
0x71: {  	[sflag:s26] =	ssyncadd.s32 $0xFFFFC000;
	(pc) =	sbr.rel @p1 .LBB2_2-.Ltmp0, $4  }
0x72: {  	[hbm4b:s5+s4] =	stream.linear.scatter [tilespmem:s23], [sflag:$0x4], $0x4000, $0x38;
	[tilespmem:$0x18F40] =	vst v63  }
0x73: {  	s17 =	sadd.s32 $0x80, s17;
	_ =	swait.ge [sflag:s26], $0x4000  }
0x74: {  	s22 =	sadd.s32 $0x200000, s22;
	s20 =	sadd.s32 $0x40000, s20;
	[sflag:s26] =	ssyncset.done $0x0  }
0x75: {  	s24 =	sadd.s32 $0x40000, s24;
	s5 =	sadd.s32 $0x40000, s5;
	[sflag:s26] =	ssyncadd.s32 $0xFFFFC000  }
0x76: {  	[hbm4b:s11+s4] =	stream.linear.scatter [tilespmem:s25], [sflag:$0x5], $0x4000, $0x38;
	[tilespmem:$0x18F40] =	vst v63  }
0x77: {  	_ =	swait.ge [sflag:s28], $0x4000  }
0x78: {  	[sflag:s28] =	ssyncset.done $0x0  }
0x79: {  	[sflag:s28] =	ssyncadd.s32 $0xFFFFC000  }
0x7a: {  	_ =	swait.ge [sflag:s30], $0x4000  }
0x7b: {  	[sflag:s30] =	ssyncset.done $0x0  }
0x7c: {  	[sflag:s30] =	ssyncadd.s32 $0xFFFFC000  }
0x7d: {  	_ =	swait.ge [sflag:s31], $0x4000  }
0x7e: {  	[sflag:s31] =	ssyncset.done $0x0  }
0x7f: {  	[sflag:s31] =	ssyncadd.s32 $0xFFFFC000  }
0x80: {  	_ =	swait.ge [sflag:s0], $0x4000  }
0x81: {  	s1 =	sadd.s32 $0x1, s1;
	s5 =	rddreg [dreg:$0x6]  }
0x82: {  	p1 =	sne.s32 s1, s5  }
.Ltmp1:
0x83: {  	_ = 	snop;
	(pc) =	sbr.rel @p1 .LBB2_1-.Ltmp1, $3  }
0x84: {  	_ =	sdelay $0x1  }
0x85: {  	[sflag:s0] =	ssyncset.done $0x0  }
0x86: {  	[sflag:s0] =	ssyncadd.s32 $0xFFFFC000  }
0x87: {  	_ =	sfence.sel $0x180000  }
0x88: {  	[bflag:$0x0] =	sbarrier.arrive $0xFFFF  }
0x89: {  	_ =	strace $0x90000047  }
0x8a: {  	[bflag:$0x2] =	sbarrier.arrive $0xFFFF  }
0x8b: {  	s0 =	rddreg [dreg:$0x4]  }
0x8c: {  	s0 =	sadd.s32 @!p0 $0x100000, s0  }
0x8d: {  	[sflag:s0] =	ssyncadd.tile.s32 @!p0 $0x1;
	_ =	shalt  }
.Lfunc_end2:
_tile_overlayer_lowered:
.L_overlay_start_2:
0x8e: {  	(tag) =	ssettag $0x2  }
0x8f: {  	s0 =	rddreg [dreg:$0x0];
	s2 =	stileid.u32  }
0x90: {  	s1 =	rddreg [dreg:$0x1];
	p0 =	sne.s32 s2, $0x0  }
0x91: {  	s3 =	rddreg [dreg:$0x2];
	[bflag:$0x3] =	sbarrier.arrive $0xFFFF;
	s2 =	simm.s32 @!p0 $0x1C06  }
0x92: {  	[timem:s3], [sflag:s2] =	dma.local @!p0 [hbm:s0], s1  }
0x93: {  	s0 =	simm.s32 @!p0 $0x6  }
0x94: {  	_ =	swait.ge @!p0 [sflag:s0], s1  }
0x95: {  	s1 =	ssub.s32 @!p0 $0x0, s1;
	[sflag:s0] =	ssyncset.done @!p0 $0x0  }
0x96: {  	[sflag:s0] =	ssyncadd.s32 @!p0 s1  }
0x97: {  	[bflag:$0x3] =	sbarrier.arrive $0xFFFF  }
0x98: {  	_ =	shalt  }

</sc_bundles>
